<compile_context>
chip_gen: v7x
topology: tpu7x:2x2x1
jax: 0.10.2.dev20260603
libtpu: 0.0.44.dev20260713+nightly
codegen_flags: <defaults>
</compile_context>

<pallas_src>
import functools

import jax
import jax.numpy as jnp
from jax import lax
from jax.experimental import pallas as pl
from jax.experimental.pallas import tpu as pltpu
from jax.experimental.pallas import tpu_sc as plsc

B = 4096
D = 128
H1 = 256
OUT = 128

_PREC = lax.Precision.DEFAULT


def _sc_gather_both(user_ids, item_ids, user_emb, item_emb, nb):
    info = plsc.get_sparse_core_info()
    nw = info.num_cores * info.num_subcores
    b_per_w = nb // nw

    mesh = plsc.VectorSubcoreMesh(core_axis_name="c", subcore_axis_name="s")

    @functools.partial(
        pl.kernel,
        mesh=mesh,
        out_type=[
            jax.ShapeDtypeStruct((nb, D), jnp.float32),
            jax.ShapeDtypeStruct((nb, D), jnp.float32),
        ],
        scratch_types=[
            pltpu.VMEM((b_per_w,), jnp.int32),
            pltpu.VMEM((b_per_w,), jnp.int32),
            pltpu.VMEM((b_per_w, D), jnp.float32),
            pltpu.VMEM((b_per_w, D), jnp.float32),
            pltpu.SemaphoreType.DMA,
            pltpu.SemaphoreType.DMA,
        ],
    )
    def gather2(uids_hbm, iids_hbm, uemb_hbm, iemb_hbm, out_u, out_i,
                uidx_v, iidx_v, urows_v, irows_v, usem, isem):
        wid = lax.axis_index("s") * info.num_cores + lax.axis_index("c")
        base = wid * b_per_w
        uic = pltpu.async_copy(uids_hbm.at[pl.ds(base, b_per_w)], uidx_v, usem)
        iic = pltpu.async_copy(iids_hbm.at[pl.ds(base, b_per_w)], iidx_v, isem)
        uic.wait()
        ucp = pltpu.async_copy(uemb_hbm.at[uidx_v], urows_v, usem)
        iic.wait()
        icp = pltpu.async_copy(iemb_hbm.at[iidx_v], irows_v, isem)
        ucp.wait()
        uoc = pltpu.async_copy(urows_v, out_u.at[pl.ds(base, b_per_w)], usem)
        icp.wait()
        ioc = pltpu.async_copy(irows_v, out_i.at[pl.ds(base, b_per_w)], isem)
        uoc.wait()
        ioc.wait()

    return gather2(user_ids, item_ids, user_emb, item_emb)


def _mm_body(a_ref, b_ref, o_ref):
    o_ref[...] = jnp.dot(a_ref[...], b_ref[...], precision=_PREC,
                         preferred_element_type=jnp.float32)


def _tc_matmul(a, b):
    return pl.pallas_call(
        _mm_body,
        out_shape=jax.ShapeDtypeStruct((a.shape[0], b.shape[1]), jnp.float32),
    )(a, b)


def _towers_body(eu_ref, ei_ref, M_ref, uW1_ref, ub1_ref, uW2_ref,
                 ub2_ref, iW1_ref, ib1_ref, iW2_ref, ib2_ref, u_ref, it_ref):
    def mm(a, b):
        return jnp.dot(a, b, precision=_PREC,
                       preferred_element_type=jnp.float32)

    eu = eu_ref[...]
    x = eu + mm(eu, M_ref[...])
    m = jnp.mean(x, axis=-1, keepdims=True)
    c = x - m
    v = jnp.mean(c * c, axis=-1, keepdims=True)
    h = c * lax.rsqrt(v + 1e-5)
    a = jnp.maximum(mm(h, uW1_ref[...]) + ub1_ref[...], 0.0)
    u = mm(a, uW2_ref[...]) + ub2_ref[...]
    u_ref[...] = u / (jnp.sqrt(jnp.sum(u * u, axis=-1, keepdims=True)) + 1e-12)

    ei = ei_ref[...]
    ai = jnp.maximum(mm(ei, iW1_ref[...]) + ib1_ref[...], 0.0)
    it = mm(ai, iW2_ref[...]) + ib2_ref[...]
    it_ref[...] = it / (jnp.sqrt(jnp.sum(it * it, axis=-1, keepdims=True))
                        + 1e-12)


def _tc_towers(eu, ei, M, uW1, ub1, uW2, ub2, iW1, ib1, iW2, ib2):
    nb = eu.shape[0]
    BT = 2048
    grid = (nb // BT,)
    row_spec = pl.BlockSpec((BT, D), lambda i: (i, 0))
    out_spec = pl.BlockSpec((BT, OUT), lambda i: (i, 0))

    def w_spec(shape):
        return pl.BlockSpec(shape, lambda i: tuple(0 for _ in shape))

    return pl.pallas_call(
        _towers_body,
        grid=grid,
        in_specs=[
            row_spec, row_spec,
            w_spec((D, D)),
            w_spec((D, H1)), w_spec((1, H1)), w_spec((H1, OUT)),
            w_spec((1, OUT)),
            w_spec((D, H1)), w_spec((1, H1)), w_spec((H1, OUT)),
            w_spec((1, OUT)),
        ],
        out_specs=[out_spec, out_spec],
        out_shape=[
            jax.ShapeDtypeStruct((nb, OUT), jnp.float32),
            jax.ShapeDtypeStruct((nb, OUT), jnp.float32),
        ],
    )(eu, ei, M, uW1, ub1.reshape(1, H1), uW2, ub2.reshape(1, OUT),
      iW1, ib1.reshape(1, H1), iW2, ib2.reshape(1, OUT))


def kernel(user_ids, item_ids, user_emb, item_emb, Wq, Wk, Wv, Wo,
           uW1, ub1, uW2, ub2, iW1, ib1, iW2, ib2):
    del Wq, Wk
    uids = user_ids.astype(jnp.int32)
    iids = item_ids.astype(jnp.int32)
    M = _tc_matmul(Wv, Wo)
    eu, ei = _sc_gather_both(uids, iids, user_emb, item_emb, B)
    u, it = _tc_towers(eu, ei, M, uW1, ub1, uW2, ub2,
                       iW1, ib1, iW2, ib2)
    return (u, it)

# --- scband reference (transcript-rebuilt; emitter-appended) ---
"""Pipeline reference for scband-two-tower-model-69148973466267 (READ-ONLY COPY).

The authoritative reference and input builder live on the scoring server;
editing this copy changes nothing except your own understanding.
"""

import jax, jax.numpy as jnp
import numpy as np

B = 4096; NU = 100000; NI = 100000; D = 128; H1 = 256; OUT = 128; NH = 4

def _ln(x, eps=1e-5):
    m = jnp.mean(x, axis=-1, keepdims=True)
    v = jnp.var(x, axis=-1, keepdims=True)
    return (x - m) / jnp.sqrt(v + eps)

def _user_tower(ids, emb, Wq, Wk, Wv, Wo, W1, b1, W2, b2):
    e = jnp.take(emb, ids, axis=0)
    Bsz = e.shape[0]; dh = D // NH
    q = (e @ Wq).reshape(Bsz, NH, 1, dh)
    k = (e @ Wk).reshape(Bsz, NH, 1, dh)
    v = (e @ Wv).reshape(Bsz, NH, 1, dh)
    scores = jnp.einsum('bhqd,bhkd->bhqk', q, k) / jnp.sqrt(jnp.float32(dh))
    attn = jax.nn.softmax(scores, axis=-1)
    o = jnp.einsum('bhqk,bhkd->bhqd', attn, v).reshape(Bsz, D) @ Wo
    h = _ln(e + o)
    h = jax.nn.relu(h @ W1 + b1)
    h = h @ W2 + b2
    return h / (jnp.linalg.norm(h, axis=-1, keepdims=True) + 1e-12)

def _item_tower(ids, emb, W1, b1, W2, b2):
    e = jnp.take(emb, ids, axis=0)
    h = jax.nn.relu(e @ W1 + b1)
    h = h @ W2 + b2
    return h / (jnp.linalg.norm(h, axis=-1, keepdims=True) + 1e-12)

def setup_inputs(seed: int = 0):
    key = jax.random.key(seed)
    ks = jax.random.split(key, 16)
    s = 0.02
    return {
        'user_ids': jax.random.randint(ks[0], (B,), 0, NU),
        'item_ids': jax.random.randint(ks[1], (B,), 0, NI),
        'user_emb': jax.random.normal(ks[2], (NU, D), jnp.float32) * s,
        'item_emb': jax.random.normal(ks[3], (NI, D), jnp.float32) * s,
        'Wq': jax.random.normal(ks[4], (D, D), jnp.float32) * s,
        'Wk': jax.random.normal(ks[5], (D, D), jnp.float32) * s,
        'Wv': jax.random.normal(ks[6], (D, D), jnp.float32) * s,
        'Wo': jax.random.normal(ks[7], (D, D), jnp.float32) * s,
        'uW1': jax.random.normal(ks[8], (D, H1), jnp.float32) * s,
        'ub1': jnp.zeros((H1,), jnp.float32),
        'uW2': jax.random.normal(ks[9], (H1, OUT), jnp.float32) * s,
        'ub2': jnp.zeros((OUT,), jnp.float32),
        'iW1': jax.random.normal(ks[10], (D, H1), jnp.float32) * s,
        'ib1': jnp.zeros((H1,), jnp.float32),
        'iW2': jax.random.normal(ks[11], (H1, OUT), jnp.float32) * s,
        'ib2': jnp.zeros((OUT,), jnp.float32),
    }

def reference(user_ids, item_ids, user_emb, item_emb, Wq, Wk, Wv, Wo, uW1, ub1, uW2, ub2, iW1, ib1, iW2, ib2):
    u = _user_tower(user_ids, user_emb, Wq, Wk, Wv, Wo, uW1, ub1, uW2, ub2)
    it = _item_tower(item_ids, item_emb, iW1, ib1, iW2, ib2)
    return (u, it)

if __name__ == "__main__":
    import jax
    _d = setup_inputs()
    print(jax.jit(kernel)(*tuple(_d.values())))

</pallas_src>

<mosaic_0001>
#map = affine_map<(d0, d1) -> (0)>
#map1 = affine_map<(d0, d1) -> (0, 0)>
module attributes {stable_mosaic.version = 14 : i64} {
  func.func @gather2(%arg0: i32, %arg1: i32, %arg2: memref<4096xi32, #tpu.memory_space<hbm>>, %arg3: memref<4096xi32, #tpu.memory_space<hbm>>, %arg4: memref<100000x128xf32, #tpu.memory_space<hbm>>, %arg5: memref<100000x128xf32, #tpu.memory_space<hbm>>, %arg6: memref<4096x128xf32, #tpu.memory_space<hbm>>, %arg7: memref<4096x128xf32, #tpu.memory_space<hbm>>, %arg8: memref<128xi32, #tpu.memory_space<vmem>>, %arg9: memref<128xi32, #tpu.memory_space<vmem>>, %arg10: memref<128x128xf32, #tpu.memory_space<vmem>>, %arg11: memref<128x128xf32, #tpu.memory_space<vmem>>, %arg12: memref<!tpu.dma_semaphore, #tpu.memory_space<semaphore_mem>>, %arg13: memref<!tpu.dma_semaphore, #tpu.memory_space<semaphore_mem>>) attributes {dimension_semantics = [#tpu.dimension_semantics<core_parallel>, #tpu.dimension_semantics<subcore_parallel>], iteration_bounds = array<i64: 2, 16>, scalar_prefetch = 0 : i64, scratch_operands = 6 : i64, tpu.core_type = #tpu.core_type<sc_vector_subcore>, window_params = [{transform_indices = #map}, {transform_indices = #map}, {transform_indices = #map1}, {transform_indices = #map1}, {transform_indices = #map1}, {transform_indices = #map1}]} {
    %mul3A = arith.constant 2 : i32
    %mul3A_0 = arith.muli %arg1, %mul3A : i32
    %add3A = arith.addi %mul3A_0, %arg0 : i32
    %mul3A_1 = arith.constant 128 : i32
    %mul3A_2 = arith.muli %add3A, %mul3A_1 : i32
    %dma_start3A = tpu.memref_slice %arg2[%mul3A_2] : memref<4096xi32, #tpu.memory_space<hbm>> -> memref<128xi32, #tpu.memory_space<hbm>>
    %dma_start3A_3 = tpu.memref_slice %arg2[%mul3A_2] : memref<4096xi32, #tpu.memory_space<hbm>> -> memref<128xi32, #tpu.memory_space<hbm>>
    tpu.enqueue_dma source(%dma_start3A_3 : memref<128xi32, #tpu.memory_space<hbm>>) target(%arg8 : memref<128xi32, #tpu.memory_space<vmem>>) target_semaphore(%arg12 : memref<!tpu.dma_semaphore, #tpu.memory_space<semaphore_mem>>)
    %dma_start3A_4 = tpu.memref_slice %arg3[%mul3A_2] : memref<4096xi32, #tpu.memory_space<hbm>> -> memref<128xi32, #tpu.memory_space<hbm>>
    %dma_start3A_5 = tpu.memref_slice %arg3[%mul3A_2] : memref<4096xi32, #tpu.memory_space<hbm>> -> memref<128xi32, #tpu.memory_space<hbm>>
    tpu.enqueue_dma source(%dma_start3A_5 : memref<128xi32, #tpu.memory_space<hbm>>) target(%arg9 : memref<128xi32, #tpu.memory_space<vmem>>) target_semaphore(%arg13 : memref<!tpu.dma_semaphore, #tpu.memory_space<semaphore_mem>>)
    %dma_wait3A = tpu.memref_slice %arg2[%mul3A_2] : memref<4096xi32, #tpu.memory_space<hbm>> -> memref<128xi32, #tpu.memory_space<hbm>>
    %dma_wait3A_6 = tpu.memref_slice %arg2[%mul3A_2] : memref<4096xi32, #tpu.memory_space<hbm>> -> memref<128xi32, #tpu.memory_space<hbm>>
    tpu.wait_dma2 semaphore(%arg12 : memref<!tpu.dma_semaphore, #tpu.memory_space<semaphore_mem>>) src(%dma_wait3A_6 : memref<128xi32, #tpu.memory_space<hbm>>) dst(%arg8 : memref<128xi32, #tpu.memory_space<vmem>>)
    %dma_start3A_7 = arith.constant 0 : i32
    %dma_start3A_8 = arith.constant 0 : i32
    %dma_start3A_9 = tpu.memref_slice %arg4[%dma_start3A_7, %dma_start3A_8] : memref<100000x128xf32, #tpu.memory_space<hbm>> -> memref<100000x128xf32, #tpu.memory_space<hbm>>
    tpu.enqueue_indirect_dma source(%dma_start3A_9 : memref<100000x128xf32, #tpu.memory_space<hbm>>) target(%arg10 : memref<128x128xf32, #tpu.memory_space<vmem>>) offsets(%arg8 : memref<128xi32, #tpu.memory_space<vmem>>) semaphore(%arg12 : memref<!tpu.dma_semaphore, #tpu.memory_space<semaphore_mem>>)
    %dma_wait3A_10 = tpu.memref_slice %arg3[%mul3A_2] : memref<4096xi32, #tpu.memory_space<hbm>> -> memref<128xi32, #tpu.memory_space<hbm>>
    %dma_wait3A_11 = tpu.memref_slice %arg3[%mul3A_2] : memref<4096xi32, #tpu.memory_space<hbm>> -> memref<128xi32, #tpu.memory_space<hbm>>
    tpu.wait_dma2 semaphore(%arg13 : memref<!tpu.dma_semaphore, #tpu.memory_space<semaphore_mem>>) src(%dma_wait3A_11 : memref<128xi32, #tpu.memory_space<hbm>>) dst(%arg9 : memref<128xi32, #tpu.memory_space<vmem>>)
    %dma_start3A_12 = arith.constant 0 : i32
    %dma_start3A_13 = arith.constant 0 : i32
    %dma_start3A_14 = tpu.memref_slice %arg5[%dma_start3A_12, %dma_start3A_13] : memref<100000x128xf32, #tpu.memory_space<hbm>> -> memref<100000x128xf32, #tpu.memory_space<hbm>>
    tpu.enqueue_indirect_dma source(%dma_start3A_14 : memref<100000x128xf32, #tpu.memory_space<hbm>>) target(%arg11 : memref<128x128xf32, #tpu.memory_space<vmem>>) offsets(%arg9 : memref<128xi32, #tpu.memory_space<vmem>>) semaphore(%arg13 : memref<!tpu.dma_semaphore, #tpu.memory_space<semaphore_mem>>)
    %dma_wait3A_15 = arith.constant 0 : i32
    %dma_wait3A_16 = arith.constant 0 : i32
    %dma_wait3A_17 = tpu.memref_slice %arg4[%dma_wait3A_15, %dma_wait3A_16] : memref<100000x128xf32, #tpu.memory_space<hbm>> -> memref<100000x128xf32, #tpu.memory_space<hbm>>
    tpu.wait_indirect_dma semaphore(%arg12 : memref<!tpu.dma_semaphore, #tpu.memory_space<semaphore_mem>>) src(%dma_wait3A_17 : memref<100000x128xf32, #tpu.memory_space<hbm>>) dst(%arg10 : memref<128x128xf32, #tpu.memory_space<vmem>>)
    %dma_start3A_18 = arith.constant 0 : i32
    %dma_start3A_19 = tpu.memref_slice %arg6[%mul3A_2, %dma_start3A_18] : memref<4096x128xf32, #tpu.memory_space<hbm>> -> memref<128x128xf32, #tpu.memory_space<hbm>>
    %dma_start3A_20 = arith.constant 0 : i32
    %dma_start3A_21 = tpu.memref_slice %arg6[%mul3A_2, %dma_start3A_20] : memref<4096x128xf32, #tpu.memory_space<hbm>> -> memref<128x128xf32, #tpu.memory_space<hbm>>
    tpu.enqueue_dma source(%arg10 : memref<128x128xf32, #tpu.memory_space<vmem>>) target(%dma_start3A_21 : memref<128x128xf32, #tpu.memory_space<hbm>>) target_semaphore(%arg12 : memref<!tpu.dma_semaphore, #tpu.memory_space<semaphore_mem>>)
    %dma_wait3A_22 = arith.constant 0 : i32
    %dma_wait3A_23 = arith.constant 0 : i32
    %dma_wait3A_24 = tpu.memref_slice %arg5[%dma_wait3A_22, %dma_wait3A_23] : memref<100000x128xf32, #tpu.memory_space<hbm>> -> memref<100000x128xf32, #tpu.memory_space<hbm>>
    tpu.wait_indirect_dma semaphore(%arg13 : memref<!tpu.dma_semaphore, #tpu.memory_space<semaphore_mem>>) src(%dma_wait3A_24 : memref<100000x128xf32, #tpu.memory_space<hbm>>) dst(%arg11 : memref<128x128xf32, #tpu.memory_space<vmem>>)
    %dma_start3A_25 = arith.constant 0 : i32
    %dma_start3A_26 = tpu.memref_slice %arg7[%mul3A_2, %dma_start3A_25] : memref<4096x128xf32, #tpu.memory_space<hbm>> -> memref<128x128xf32, #tpu.memory_space<hbm>>
    %dma_start3A_27 = arith.constant 0 : i32
    %dma_start3A_28 = tpu.memref_slice %arg7[%mul3A_2, %dma_start3A_27] : memref<4096x128xf32, #tpu.memory_space<hbm>> -> memref<128x128xf32, #tpu.memory_space<hbm>>
    tpu.enqueue_dma source(%arg11 : memref<128x128xf32, #tpu.memory_space<vmem>>) target(%dma_start3A_28 : memref<128x128xf32, #tpu.memory_space<hbm>>) target_semaphore(%arg13 : memref<!tpu.dma_semaphore, #tpu.memory_space<semaphore_mem>>)
    %dma_wait3A_29 = arith.constant 0 : i32
    %dma_wait3A_30 = tpu.memref_slice %arg6[%mul3A_2, %dma_wait3A_29] : memref<4096x128xf32, #tpu.memory_space<hbm>> -> memref<128x128xf32, #tpu.memory_space<hbm>>
    %dma_wait3A_31 = arith.constant 0 : i32
    %dma_wait3A_32 = tpu.memref_slice %arg6[%mul3A_2, %dma_wait3A_31] : memref<4096x128xf32, #tpu.memory_space<hbm>> -> memref<128x128xf32, #tpu.memory_space<hbm>>
    tpu.wait_dma2 semaphore(%arg12 : memref<!tpu.dma_semaphore, #tpu.memory_space<semaphore_mem>>) src(%arg10 : memref<128x128xf32, #tpu.memory_space<vmem>>) dst(%dma_wait3A_32 : memref<128x128xf32, #tpu.memory_space<hbm>>)
    %dma_wait3A_33 = arith.constant 0 : i32
    %dma_wait3A_34 = tpu.memref_slice %arg7[%mul3A_2, %dma_wait3A_33] : memref<4096x128xf32, #tpu.memory_space<hbm>> -> memref<128x128xf32, #tpu.memory_space<hbm>>
    %dma_wait3A_35 = arith.constant 0 : i32
    %dma_wait3A_36 = tpu.memref_slice %arg7[%mul3A_2, %dma_wait3A_35] : memref<4096x128xf32, #tpu.memory_space<hbm>> -> memref<128x128xf32, #tpu.memory_space<hbm>>
    tpu.wait_dma2 semaphore(%arg13 : memref<!tpu.dma_semaphore, #tpu.memory_space<semaphore_mem>>) src(%arg11 : memref<128x128xf32, #tpu.memory_space<vmem>>) dst(%dma_wait3A_36 : memref<128x128xf32, #tpu.memory_space<hbm>>)
    return
  }
}

module attributes {stable_mosaic.version = 14 : i64} {
  func.func @_mm_body(%arg0: memref<128x128xf32, #tpu.memory_space<vmem>>, %arg1: memref<128x128xf32, #tpu.memory_space<vmem>>, %arg2: memref<128x128xf32, #tpu.memory_space<vmem>>) attributes {dimension_semantics = [], scalar_prefetch = 0 : i64, scratch_operands = 0 : i64, tpu.core_type = #tpu.core_type<tc>} {
    %get3A = arith.constant 0 : index
    %get3A_0 = arith.constant 0 : index
    %get3A_1 = vector.load %arg0[%get3A, %get3A_0] : memref<128x128xf32, #tpu.memory_space<vmem>>, vector<128x128xf32>
    %get3A_2 = arith.constant 0 : index
    %get3A_3 = arith.constant 0 : index
    %get3A_4 = vector.load %arg1[%get3A_2, %get3A_3] : memref<128x128xf32, #tpu.memory_space<vmem>>, vector<128x128xf32>
    %dot_general3A = arith.constant dense<0.000000e+00> : vector<128x128xf32>
    %dot_general3A_5 = tpu.matmul %get3A_1, %get3A_4, %dot_general3A {dimension_numbers = #tpu.dot_dimension_numbers<[1], [0], [0], [1], [0, 0, 1, 1], [], []>, transpose_lhs_hint = false} : vector<128x128xf32>, vector<128x128xf32>, vector<128x128xf32> -> vector<128x128xf32>
    %swap3A = arith.constant 0 : index
    %swap3A_6 = arith.constant 0 : index
    %swap3A_7 = vector.load %arg2[%swap3A, %swap3A_6] : memref<128x128xf32, #tpu.memory_space<vmem>>, vector<128x128xf32>
    tpu.vector_store %arg2[%swap3A, %swap3A_6], %dot_general3A_5 {strides = array<i32>} : memref<128x128xf32, #tpu.memory_space<vmem>>, vector<128x128xf32>,
    return
  }
}

module attributes {stable_mosaic.version = 14 : i64} {
  func.func @_towers_body(%arg0: i32, %arg1: memref<2048x128xf32, #tpu.memory_space<vmem>>, %arg2: memref<2048x128xf32, #tpu.memory_space<vmem>>, %arg3: memref<128x128xf32, #tpu.memory_space<vmem>>, %arg4: memref<128x256xf32, #tpu.memory_space<vmem>>, %arg5: memref<1x256xf32, #tpu.memory_space<vmem>>, %arg6: memref<256x128xf32, #tpu.memory_space<vmem>>, %arg7: memref<1x128xf32, #tpu.memory_space<vmem>>, %arg8: memref<128x256xf32, #tpu.memory_space<vmem>>, %arg9: memref<1x256xf32, #tpu.memory_space<vmem>>, %arg10: memref<256x128xf32, #tpu.memory_space<vmem>>, %arg11: memref<1x128xf32, #tpu.memory_space<vmem>>, %arg12: memref<2048x128xf32, #tpu.memory_space<vmem>>, %arg13: memref<2048x128xf32, #tpu.memory_space<vmem>>) attributes {dimension_semantics = [#tpu.dimension_semantics<arbitrary>], iteration_bounds = array<i64: 2>, scalar_prefetch = 0 : i64, scratch_operands = 0 : i64, tpu.core_type = #tpu.core_type<tc>, window_params = [{transform_indices = @transform_0, window_bounds = array<i64: 2048, 128>}, {transform_indices = @transform_1, window_bounds = array<i64: 2048, 128>}, {pipeline_mode = #tpu.pipeline_mode<synchronous>, transform_indices = @transform_2, window_bounds = array<i64: 128, 128>}, {pipeline_mode = #tpu.pipeline_mode<synchronous>, transform_indices = @transform_3, window_bounds = array<i64: 128, 256>}, {pipeline_mode = #tpu.pipeline_mode<synchronous>, transform_indices = @transform_4, window_bounds = array<i64: 1, 256>}, {pipeline_mode = #tpu.pipeline_mode<synchronous>, transform_indices = @transform_5, window_bounds = array<i64: 256, 128>}, {pipeline_mode = #tpu.pipeline_mode<synchronous>, transform_indices = @transform_6, window_bounds = array<i64: 1, 128>}, {pipeline_mode = #tpu.pipeline_mode<synchronous>, transform_indices = @transform_7, window_bounds = array<i64: 128, 256>}, {pipeline_mode = #tpu.pipeline_mode<synchronous>, transform_indices = @transform_8, window_bounds = array<i64: 1, 256>}, {pipeline_mode = #tpu.pipeline_mode<synchronous>, transform_indices = @transform_9, window_bounds = array<i64: 256, 128>}, {pipeline_mode = #tpu.pipeline_mode<synchronous>, transform_indices = @transform_10, window_bounds = array<i64: 1, 128>}, {transform_indices = @transform_11, window_bounds = array<i64: 2048, 128>}, {transform_indices = @transform_12, window_bounds = array<i64: 2048, 128>}]} {
    %get3A = arith.constant 0 : index
    %get3A_0 = arith.constant 0 : index
    %get3A_1 = vector.load %arg1[%get3A, %get3A_0] : memref<2048x128xf32, #tpu.memory_space<vmem>>, vector<2048x128xf32>
    %get3A_2 = arith.constant 0 : index
    %get3A_3 = arith.constant 0 : index
    %get3A_4 = vector.load %arg3[%get3A_2, %get3A_3] : memref<128x128xf32, #tpu.memory_space<vmem>>, vector<128x128xf32>
    %dot_general3A = arith.constant dense<0.000000e+00> : vector<2048x128xf32>
    %dot_general3A_5 = tpu.matmul %get3A_1, %get3A_4, %dot_general3A {dimension_numbers = #tpu.dot_dimension_numbers<[1], [0], [0], [1], [0, 0, 1, 1], [], []>, transpose_lhs_hint = false} : vector<2048x128xf32>, vector<128x128xf32>, vector<2048x128xf32> -> vector<2048x128xf32>
    %add3A = arith.addf %get3A_1, %dot_general3A_5 : vector<2048x128xf32>
    %reduce_sum3A = arith.constant dense<0.000000e+00> : vector<2048xf32>
    %reduce_sum3A_6 = vector.multi_reduction <add>, %add3A, %reduce_sum3A [1] : vector<2048x128xf32> to vector<2048xf32>
    %broadcast_in_dim3A = vector.shape_cast %reduce_sum3A_6 : vector<2048xf32> to vector<2048x1xf32>
    %div3A = arith.constant 1.280000e+02 : f32
    %div3A_7 = vector.broadcast %div3A : f32 to vector<2048x1xf32>
    %div3A_8 = arith.divf %broadcast_in_dim3A, %div3A_7 : vector<2048x1xf32>
    %sub3A = vector.broadcast %div3A_8 : vector<2048x1xf32> to vector<2048x128xf32>
    %sub3A_9 = arith.subf %add3A, %sub3A : vector<2048x128xf32>
    %mul3A = arith.mulf %sub3A_9, %sub3A_9 : vector<2048x128xf32>
    %reduce_sum3A_10 = arith.constant dense<0.000000e+00> : vector<2048xf32>
    %reduce_sum3A_11 = vector.multi_reduction <add>, %mul3A, %reduce_sum3A_10 [1] : vector<2048x128xf32> to vector<2048xf32>
    %broadcast_in_dim3A_12 = vector.shape_cast %reduce_sum3A_11 : vector<2048xf32> to vector<2048x1xf32>
    %div3A_13 = arith.constant 1.280000e+02 : f32
    %div3A_14 = vector.broadcast %div3A_13 : f32 to vector<2048x1xf32>
    %div3A_15 = arith.divf %broadcast_in_dim3A_12, %div3A_14 : vector<2048x1xf32>
    %add3A_16 = arith.constant 9.99999974E-6 : f32
    %add3A_17 = vector.broadcast %add3A_16 : f32 to vector<2048x1xf32>
    %add3A_18 = arith.addf %div3A_15, %add3A_17 : vector<2048x1xf32>
    %rsqrt3A = math.rsqrt %add3A_18 : vector<2048x1xf32>
    %mul3A_19 = vector.broadcast %rsqrt3A : vector<2048x1xf32> to vector<2048x128xf32>
    %mul3A_20 = arith.mulf %sub3A_9, %mul3A_19 : vector<2048x128xf32>
    %get3A_21 = arith.constant 0 : index
    %get3A_22 = arith.constant 0 : index
    %get3A_23 = vector.load %arg4[%get3A_21, %get3A_22] : memref<128x256xf32, #tpu.memory_space<vmem>>, vector<128x256xf32>
    %dot_general3A_24 = arith.constant dense<0.000000e+00> : vector<2048x256xf32>
    %dot_general3A_25 = tpu.matmul %mul3A_20, %get3A_23, %dot_general3A_24 {dimension_numbers = #tpu.dot_dimension_numbers<[1], [0], [0], [1], [0, 0, 1, 1], [], []>, transpose_lhs_hint = false} : vector<2048x128xf32>, vector<128x256xf32>, vector<2048x256xf32> -> vector<2048x256xf32>
    %get3A_26 = arith.constant 0 : index
    %get3A_27 = arith.constant 0 : index
    %get3A_28 = vector.load %arg5[%get3A_26, %get3A_27] : memref<1x256xf32, #tpu.memory_space<vmem>>, vector<1x256xf32>
    %add3A_29 = vector.broadcast %get3A_28 : vector<1x256xf32> to vector<2048x256xf32>
    %add3A_30 = arith.addf %dot_general3A_25, %add3A_29 : vector<2048x256xf32>
    %max3A = arith.constant 0.000000e+00 : f32
    %max3A_31 = vector.broadcast %max3A : f32 to vector<2048x256xf32>
    %max3A_32 = arith.maximumf %add3A_30, %max3A_31 : vector<2048x256xf32>
    %get3A_33 = arith.constant 0 : index
    %get3A_34 = arith.constant 0 : index
    %get3A_35 = vector.load %arg6[%get3A_33, %get3A_34] : memref<256x128xf32, #tpu.memory_space<vmem>>, vector<256x128xf32>
    %dot_general3A_36 = arith.constant dense<0.000000e+00> : vector<2048x128xf32>
    %dot_general3A_37 = tpu.matmul %max3A_32, %get3A_35, %dot_general3A_36 {dimension_numbers = #tpu.dot_dimension_numbers<[1], [0], [0], [1], [0, 0, 1, 1], [], []>, transpose_lhs_hint = false} : vector<2048x256xf32>, vector<256x128xf32>, vector<2048x128xf32> -> vector<2048x128xf32>
    %get3A_38 = arith.constant 0 : index
    %get3A_39 = arith.constant 0 : index
    %get3A_40 = vector.load %arg7[%get3A_38, %get3A_39] : memref<1x128xf32, #tpu.memory_space<vmem>>, vector<1x128xf32>
    %add3A_41 = vector.broadcast %get3A_40 : vector<1x128xf32> to vector<2048x128xf32>
    %add3A_42 = arith.addf %dot_general3A_37, %add3A_41 : vector<2048x128xf32>
    %mul3A_43 = arith.mulf %add3A_42, %add3A_42 : vector<2048x128xf32>
    %reduce_sum3A_44 = arith.constant dense<0.000000e+00> : vector<2048xf32>
    %reduce_sum3A_45 = vector.multi_reduction <add>, %mul3A_43, %reduce_sum3A_44 [1] : vector<2048x128xf32> to vector<2048xf32>
    %broadcast_in_dim3A_46 = vector.shape_cast %reduce_sum3A_45 : vector<2048xf32> to vector<2048x1xf32>
    %sqrt3A = math.sqrt %broadcast_in_dim3A_46 : vector<2048x1xf32>
    %add3A_47 = arith.constant 9.99999996E-13 : f32
    %add3A_48 = vector.broadcast %add3A_47 : f32 to vector<2048x1xf32>
    %add3A_49 = arith.addf %sqrt3A, %add3A_48 : vector<2048x1xf32>
    %div3A_50 = vector.broadcast %add3A_49 : vector<2048x1xf32> to vector<2048x128xf32>
    %div3A_51 = arith.divf %add3A_42, %div3A_50 : vector<2048x128xf32>
    %swap3A = arith.constant 0 : index
    %swap3A_52 = arith.constant 0 : index
    %swap3A_53 = vector.load %arg12[%swap3A, %swap3A_52] : memref<2048x128xf32, #tpu.memory_space<vmem>>, vector<2048x128xf32>
    tpu.vector_store %arg12[%swap3A, %swap3A_52], %div3A_51 {strides = array<i32>} : memref<2048x128xf32, #tpu.memory_space<vmem>>, vector<2048x128xf32>,
    %get3A_54 = arith.constant 0 : index
    %get3A_55 = arith.constant 0 : index
    %get3A_56 = vector.load %arg2[%get3A_54, %get3A_55] : memref<2048x128xf32, #tpu.memory_space<vmem>>, vector<2048x128xf32>
    %get3A_57 = arith.constant 0 : index
    %get3A_58 = arith.constant 0 : index
    %get3A_59 = vector.load %arg8[%get3A_57, %get3A_58] : memref<128x256xf32, #tpu.memory_space<vmem>>, vector<128x256xf32>
    %dot_general3A_60 = arith.constant dense<0.000000e+00> : vector<2048x256xf32>
    %dot_general3A_61 = tpu.matmul %get3A_56, %get3A_59, %dot_general3A_60 {dimension_numbers = #tpu.dot_dimension_numbers<[1], [0], [0], [1], [0, 0, 1, 1], [], []>, transpose_lhs_hint = false} : vector<2048x128xf32>, vector<128x256xf32>, vector<2048x256xf32> -> vector<2048x256xf32>
    %get3A_62 = arith.constant 0 : index
    %get3A_63 = arith.constant 0 : index
    %get3A_64 = vector.load %arg9[%get3A_62, %get3A_63] : memref<1x256xf32, #tpu.memory_space<vmem>>, vector<1x256xf32>
    %add3A_65 = vector.broadcast %get3A_64 : vector<1x256xf32> to vector<2048x256xf32>
    %add3A_66 = arith.addf %dot_general3A_61, %add3A_65 : vector<2048x256xf32>
    %max3A_67 = arith.constant 0.000000e+00 : f32
    %max3A_68 = vector.broadcast %max3A_67 : f32 to vector<2048x256xf32>
    %max3A_69 = arith.maximumf %add3A_66, %max3A_68 : vector<2048x256xf32>
    %get3A_70 = arith.constant 0 : index
    %get3A_71 = arith.constant 0 : index
    %get3A_72 = vector.load %arg10[%get3A_70, %get3A_71] : memref<256x128xf32, #tpu.memory_space<vmem>>, vector<256x128xf32>
    %dot_general3A_73 = arith.constant dense<0.000000e+00> : vector<2048x128xf32>
    %dot_general3A_74 = tpu.matmul %max3A_69, %get3A_72, %dot_general3A_73 {dimension_numbers = #tpu.dot_dimension_numbers<[1], [0], [0], [1], [0, 0, 1, 1], [], []>, transpose_lhs_hint = false} : vector<2048x256xf32>, vector<256x128xf32>, vector<2048x128xf32> -> vector<2048x128xf32>
    %get3A_75 = arith.constant 0 : index
    %get3A_76 = arith.constant 0 : index
    %get3A_77 = vector.load %arg11[%get3A_75, %get3A_76] : memref<1x128xf32, #tpu.memory_space<vmem>>, vector<1x128xf32>
    %add3A_78 = vector.broadcast %get3A_77 : vector<1x128xf32> to vector<2048x128xf32>
    %add3A_79 = arith.addf %dot_general3A_74, %add3A_78 : vector<2048x128xf32>
    %mul3A_80 = arith.mulf %add3A_79, %add3A_79 : vector<2048x128xf32>
    %reduce_sum3A_81 = arith.constant dense<0.000000e+00> : vector<2048xf32>
    %reduce_sum3A_82 = vector.multi_reduction <add>, %mul3A_80, %reduce_sum3A_81 [1] : vector<2048x128xf32> to vector<2048xf32>
    %broadcast_in_dim3A_83 = vector.shape_cast %reduce_sum3A_82 : vector<2048xf32> to vector<2048x1xf32>
    %sqrt3A_84 = math.sqrt %broadcast_in_dim3A_83 : vector<2048x1xf32>
    %add3A_85 = arith.constant 9.99999996E-13 : f32
    %add3A_86 = vector.broadcast %add3A_85 : f32 to vector<2048x1xf32>
    %add3A_87 = arith.addf %sqrt3A_84, %add3A_86 : vector<2048x1xf32>
    %div3A_88 = vector.broadcast %add3A_87 : vector<2048x1xf32> to vector<2048x128xf32>
    %div3A_89 = arith.divf %add3A_79, %div3A_88 : vector<2048x128xf32>
    %swap3A_90 = arith.constant 0 : index
    %swap3A_91 = arith.constant 0 : index
    %swap3A_92 = vector.load %arg13[%swap3A_90, %swap3A_91] : memref<2048x128xf32, #tpu.memory_space<vmem>>, vector<2048x128xf32>
    tpu.vector_store %arg13[%swap3A_90, %swap3A_91], %div3A_89 {strides = array<i32>} : memref<2048x128xf32, #tpu.memory_space<vmem>>, vector<2048x128xf32>,
    return
  }
  func.func @transform_0(%arg0: i32) -> (i32, i32) {
    %c0_i32 = arith.constant 0 : i32
    %c0_i32_0 = arith.constant 0 : i32
    return %arg0, %c0_i32 : i32, i32
  }
  func.func @transform_1(%arg0: i32) -> (i32, i32) {
    %c0_i32 = arith.constant 0 : i32
    %c0_i32_0 = arith.constant 0 : i32
    return %arg0, %c0_i32 : i32, i32
  }
  func.func @transform_2(%arg0: i32) -> (i32, i32) {
    %c0_i32 = arith.constant 0 : i32
    %c0_i32_0 = arith.constant 0 : i32
    %c0_i32_1 = arith.constant 0 : i32
    return %c0_i32, %c0_i32_0 : i32, i32
  }
  func.func @transform_3(%arg0: i32) -> (i32, i32) {
    %c0_i32 = arith.constant 0 : i32
    %c0_i32_0 = arith.constant 0 : i32
    %c0_i32_1 = arith.constant 0 : i32
    return %c0_i32, %c0_i32_0 : i32, i32
  }
  func.func @transform_4(%arg0: i32) -> (i32, i32) {
    %c0_i32 = arith.constant 0 : i32
    %c0_i32_0 = arith.constant 0 : i32
    %c0_i32_1 = arith.constant 0 : i32
    return %c0_i32, %c0_i32_0 : i32, i32
  }
  func.func @transform_5(%arg0: i32) -> (i32, i32) {
    %c0_i32 = arith.constant 0 : i32
    %c0_i32_0 = arith.constant 0 : i32
    %c0_i32_1 = arith.constant 0 : i32
    return %c0_i32, %c0_i32_0 : i32, i32
  }
  func.func @transform_6(%arg0: i32) -> (i32, i32) {
    %c0_i32 = arith.constant 0 : i32
    %c0_i32_0 = arith.constant 0 : i32
    %c0_i32_1 = arith.constant 0 : i32
    return %c0_i32, %c0_i32_0 : i32, i32
  }
  func.func @transform_7(%arg0: i32) -> (i32, i32) {
    %c0_i32 = arith.constant 0 : i32
    %c0_i32_0 = arith.constant 0 : i32
    %c0_i32_1 = arith.constant 0 : i32
    return %c0_i32, %c0_i32_0 : i32, i32
  }
  func.func @transform_8(%arg0: i32) -> (i32, i32) {
    %c0_i32 = arith.constant 0 : i32
    %c0_i32_0 = arith.constant 0 : i32
    %c0_i32_1 = arith.constant 0 : i32
    return %c0_i32, %c0_i32_0 : i32, i32
  }
  func.func @transform_9(%arg0: i32) -> (i32, i32) {
    %c0_i32 = arith.constant 0 : i32
    %c0_i32_0 = arith.constant 0 : i32
    %c0_i32_1 = arith.constant 0 : i32
    return %c0_i32, %c0_i32_0 : i32, i32
  }
  func.func @transform_10(%arg0: i32) -> (i32, i32) {
    %c0_i32 = arith.constant 0 : i32
    %c0_i32_0 = arith.constant 0 : i32
    %c0_i32_1 = arith.constant 0 : i32
    return %c0_i32, %c0_i32_0 : i32, i32
  }
  func.func @transform_11(%arg0: i32) -> (i32, i32) {
    %c0_i32 = arith.constant 0 : i32
    %c0_i32_0 = arith.constant 0 : i32
    return %arg0, %c0_i32 : i32, i32
  }
  func.func @transform_12(%arg0: i32) -> (i32, i32) {
    %c0_i32 = arith.constant 0 : i32
    %c0_i32_0 = arith.constant 0 : i32
    return %arg0, %c0_i32 : i32, i32
  }
}

</mosaic_0001>

<sc_bundles>
// kernel: kernel.5.cloned.1.call-start
scs
__scs_entry_jumppad:
0x0: {  	(pc) =	sbr.rel $0x88, $3  }
0x1: {  	(tag) =	ssettag $0x0;
	lr =	simm.s32 $0x1  }
0x2: {  	[smem:$0x3F93] =	sst lr;
	_ =	strace $0xD0000000  }
0x3: {  	_ = 	snop  }
0x4: {  	_ = 	snop  }
0x5: {  	_ = 	snop  }
0x6: {  	_ = 	snop  }
0x7: {  	_ = 	snop  }
__scs_overlays_trampoline_lowered:
0x8: {  	[smem:$0x3FA2] =	sst s0  }
0x9: {  	[smem:$0x3FA3] =	sst s1  }
0xa: {  	[smem:$0x3FA4] =	sst s2  }
0xb: {  	[smem:$0x3FA5] =	sst s3  }
0xc: {  	[smem:$0x3FA6] =	sst s4  }
0xd: {  	[smem:$0x3FA7] =	sst s5  }
0xe: {  	[smem:$0x3FA8] =	sst s6  }
0xf: {  	[smem:$0x3FA9] =	sst s7  }
0x10: {  	[smem:$0x3FAA] =	sst s8  }
0x11: {  	[smem:$0x3FAB] =	sst s9;
	s0 =	simm.s32 @!p0 $0x0  }
0x12: {  	s1 =	sld [smem:$0x3F91];
	s0 =	simm.s32 @p0 $0x1  }
0x13: {  	[smem:$0x3FAC] =	sst s0;
	s0 =	simm.s32 @!p1 $0x0  }
0x14: {  	s2 =	sld [smem:$0x3F90];
	s0 =	simm.s32 @p1 $0x1  }
0x15: {  	[smem:$0x3FAD] =	sst s0;
	s0 =	simm.s32 @!p2 $0x0  }
0x16: {  	s3 =	sld [smem:$0x3FDB];
	s0 =	simm.s32 @p2 $0x1  }
0x17: {  	s4 =	simm.s32 $0x1BF5;
	[smem:$0x3FAF] =	sst s0  }
0x18: {  	s0 =	sld [smem:$0x3F92];
	_ =	swait.ge [sflag:s4], $0x0  }
0x19: {  	s7 =	sld [smem:$0x3F93]  }
0x1a: {  	s8 =	sadd.s32 $0xFFFFE003, lr  }
0x1b: {  	s9 =	sadd.s32 $0xFFFFFEF7, lr;
	s5 =	simm.s32 $0xFFFFFFFF;
	p2 =	slt.u32 s8, $0xFFFFF086  }
0x1c: {  	p1 =	slt.u32 s9, $0xF7A;
	s5 =	simm.s32 @!p2 $0x0  }
0x1d: {  	s5 =	simm.s32 @p1 $0x1;
	p0 =	seq.s32 s7, s2  }
0x1e: {  	s7 =	smul.u32 @!p0 $0xF7A, s2;
	p2 =	seq.s32 @!p0 s5, $0x0  }
0x1f: {  	s9 =	smul.u32 $0xF7A, s1;
	s8 =	simm.s32 @!p0 $0x1BF5;
	p2 =	por !p2, p0  }
0x20: {  	[sflag:s8] =	ssyncset.s32 @!p0 $0xFFFFF086;
	s6 =	sadd.s32 @!p0 s3, s7;
	s7 =	simm.s32 @!p0 $0x108  }
0x21: {  	s3 =	sadd.s32 s3, s9;
	s6 =	sadd.s32 @!p0 $0x88, s6;
	s7 =	simm.s32 @p2 $0x1082  }
0x22: {  	[simem:s7], [sflag:s8] =	dma.local @!p0 [hbm:s6], $0xF7A  }
0x23: {  	s9 =	sor.u32 $0xD0000000, s2;
	s6 =	simm.s32 $0x108;
	_ =	swait.ge @!p0 [sflag:s8], $0x0  }
0x24: {  	s3 =	sadd.s32 $0x88, s3;
	s6 =	simm.s32 @!p1 $0x1082;
	[sflag:s4] =	ssyncset.s32 $0xFFFFF086  }
0x25: {  	[simem:s6], [sflag:s4] =	dma.local [hbm:s3], $0xF7A  }
0x26: {  	[smem:$0x3F93] =	sst s1;
	(tag) =	ssettag s2;
	_ =	strace s9  }
0x27: {  	s1 =	sld [smem:$0x3FA3]  }
0x28: {  	s2 =	sld [smem:$0x3FA4]  }
0x29: {  	s4 =	sld [smem:$0x3FA6]  }
0x2a: {  	p0 =	seq.s32 s5, $0x0;
	s5 =	sld [smem:$0x3FA7]  }
0x2b: {  	s6 =	sld [smem:$0x3FA8]  }
0x2c: {  	s7 =	sld [smem:$0x3FA9]  }
0x2d: {  	s3 =	simm.s32 $0x108;
	s8 =	sld [smem:$0x3FAA]  }
0x2e: {  	s3 =	simm.s32 @!p0 $0x1082;
	s9 =	sld [smem:$0x3FAB]  }
0x2f: {  	lr =	sadd.s32 s0, s3;
	s0 =	sld [smem:$0x3FA2]  }
0x30: {  	s3 =	sld [smem:$0x3FA5]  }
0x31: {  	[smem:$0x3FAE] =	sst s10  }
0x32: {  	s10 =	sld [smem:$0x3FAC];
	_ =	sdelay $0x3  }
0x33: {  	p0 =	seq.s32 s10, $0x1;
	s10 =	sld [smem:$0x3FAE];
	_ =	sdelay $0x3  }
0x34: {  	[smem:$0x3FAE] =	sst s10  }
0x35: {  	s10 =	sld [smem:$0x3FAD];
	_ =	sdelay $0x3  }
0x36: {  	p1 =	seq.s32 s10, $0x1;
	s10 =	sld [smem:$0x3FAE];
	_ =	sdelay $0x3  }
0x37: {  	[smem:$0x3FAE] =	sst s10  }
0x38: {  	s10 =	sld [smem:$0x3FAF]  }
0x39: {  	_ = 	snop;
	(pc) =	sbr.ind lr, $3  }
0x3a: {  	_ = 	snop  }
0x3b: {  	_ = 	snop  }
0x3c: {  	p2 =	seq.s32 s10, $0x1;
	s10 =	sld [smem:$0x3FAE]  }
0x3d: {  	_ =	shalt  }
0x3e: {  	_ =	shalt  }
0x3f: {  	_ =	shalt  }
0x40: {  	_ =	shalt  }
0x41: {  	_ =	shalt  }
0x42: {  	_ =	shalt  }
0x43: {  	_ =	shalt  }
0x44: {  	_ =	shalt  }
0x45: {  	_ =	shalt  }
0x46: {  	_ =	shalt  }
0x47: {  	_ =	shalt  }
0x48: {  	_ =	shalt  }
0x49: {  	_ =	shalt  }
0x4a: {  	_ =	shalt  }
0x4b: {  	_ =	shalt  }
0x4c: {  	_ =	shalt  }
0x4d: {  	_ =	shalt  }
0x4e: {  	_ =	shalt  }
0x4f: {  	_ =	shalt  }
0x50: {  	_ =	shalt  }
0x51: {  	_ =	shalt  }
0x52: {  	_ =	shalt  }
0x53: {  	_ =	shalt  }
0x54: {  	_ =	shalt  }
0x55: {  	_ =	shalt  }
0x56: {  	_ =	shalt  }
0x57: {  	_ =	shalt  }
0x58: {  	_ =	shalt  }
0x59: {  	_ =	shalt  }
0x5a: {  	_ =	shalt  }
0x5b: {  	_ =	shalt  }
0x5c: {  	_ =	shalt  }
0x5d: {  	_ =	shalt  }
0x5e: {  	_ =	shalt  }
0x5f: {  	_ =	shalt  }
0x60: {  	_ =	shalt  }
0x61: {  	_ =	shalt  }
0x62: {  	_ =	shalt  }
0x63: {  	_ =	shalt  }
0x64: {  	_ =	shalt  }
0x65: {  	_ =	shalt  }
0x66: {  	_ =	shalt  }
0x67: {  	_ =	shalt  }
0x68: {  	_ =	shalt  }
0x69: {  	_ =	shalt  }
0x6a: {  	_ =	shalt  }
0x6b: {  	_ =	shalt  }
0x6c: {  	_ =	shalt  }
0x6d: {  	_ =	shalt  }
0x6e: {  	_ =	shalt  }
0x6f: {  	_ =	shalt  }
0x70: {  	_ =	shalt  }
0x71: {  	_ =	shalt  }
0x72: {  	_ =	shalt  }
0x73: {  	_ =	shalt  }
0x74: {  	_ =	shalt  }
0x75: {  	_ =	shalt  }
0x76: {  	_ =	shalt  }
0x77: {  	_ =	shalt  }
0x78: {  	_ =	shalt  }
0x79: {  	_ =	shalt  }
0x7a: {  	_ =	shalt  }
0x7b: {  	_ =	shalt  }
0x7c: {  	_ =	shalt  }
0x7d: {  	_ =	shalt  }
0x7e: {  	_ =	shalt  }
0x7f: {  	_ =	shalt  }
0x80: {  	_ =	shalt  }
0x81: {  	_ =	shalt  }
0x82: {  	_ =	shalt  }
0x83: {  	_ =	shalt  }
0x84: {  	_ =	shalt  }
0x85: {  	_ =	shalt  }
0x86: {  	_ =	shalt  }
0x87: {  	_ =	shalt  }
.Lfunc_end0:
.L_simem_size_0:
called_computation_lowered:
.L_overlay_start_0:
0x88: {  	s2 =	sld [smem:$0x3FD9]  }
0x89: {  	s3 =	sld [smem:$0x3FFE];
	_ =	sdelay $0x1  }
0x8a: {  	s1 =	srdreg.scid  }
0x8b: {  	s0 =	sand.u32 $0x1, s1  }
0x8c: {  	s15 =	sshll.u32 s0, $0xA;
	s2 =	sadd.s32 s3, s2  }
0x8d: {  	s2 =	sadd.s32 s2, s15  }
0x8e: {  	[smem:$0x3FBA] =	sst s2  }
0x8f: {  	_ = 	snop  }
0x90: {  	s2 =	sld [smem:$0x3FC9]  }
0x91: {  	s16 =	sld [smem:$0x3FD0]  }
0x92: {  	s4 =	sld [smem:$0x3FC8]  }
0x93: {  	s5 =	sld [smem:$0x3FC7]  }
0x94: {  	s7 =	simm.s32 $0xA;
	s8 =	simm.s32 $0x10;
	s6 =	sld [smem:$0x3FC6]  }
0x95: {  	[smem:s8], [sflag:s7] =	dma.local [hbm:s16], $0x1  }
0x96: {  	_ =	swait.eq [sflag:s7], $0x1  }
0x97: {  	[sflag:s7] =	ssyncset.done $0x0  }
0x98: {  	s17 =	sld [smem:$0x10];
	[sflag:s7] =	ssyncadd.s32 $0xFFFFFFFF  }
0x99: {  	s18 =	sld [smem:$0x11];
	(tm) =	ssettm $0x1  }
0x9a: {  	s19 =	sld [smem:$0x3FFB];
	_ =	sdelay $0x3  }
0x9b: {  	_ =	strace s19  }
0x9c: {  	s8 =	sld [smem:$0x3FFC];
	_ =	sdelay $0x3  }
0x9d: {  	_ =	strace s8  }
0x9e: {  	s8 =	sld [smem:$0x3FFD];
	_ =	sdelay $0x3  }
0x9f: {  	_ =	strace s8  }
0xa0: {  	_ =	strace $0x8FFFFFFF  }
0xa1: {  	s20 =	sld [smem:$0x3FDB];
	_ =	sdelay $0x1  }
0xa2: {  	s9 =	simm.s32 $_scs_section_size  }
0xa3: {  	s10 =	simm.s32 $_size__tile_overlayer_lowered;
	s11 =	simm.s32 $_tile_overlayer_lowered  }
0xa4: {  	s23 =	simm.s32 $0x1BFF;
	s22 =	sshll.u32 s11, $0x1;
	s8 =	sadd.s32 s9, s20  }
0xa5: {  	s12 =	simm.s32 $0x0;
	s21 =	sshll.u32 s10, $0x1;
	s10 =	sadd.s32 s22, s8  }
0xa6: {  	[timem:s12], [sflag:s23] =	dma.local [hbm:s10], s21  }
0xa7: {  	_ =	swait.ge [sflag:s23], s21  }
0xa8: {  	s9 =	ssub.s32 $0x0, s21;
	[sflag:s23] =	ssyncset.done $0x0  }
0xa9: {  	[sflag:s23] =	ssyncadd.s32 s9;
	_ =	sdelay $0x1  }
0xaa: {  	s24 =	simm.s32 $0x1B8B  }
0xab: {  	_ =	swait.ge [sflag:s24], $0x1  }
0xac: {  	[sflag:s24] =	ssyncset.done $0x0  }
0xad: {  	s25 =	simm.s32 $0x1B8E;
	[sflag:s24] =	ssyncadd.s32 $0xFFFFFFFF  }
0xae: {  	s26 =	simm.s32 $execute0_lowered;
	[smem:$0x3FD2] =	sst s25  }
0xaf: {  	s9 =	sshll.u32 s26, $0x1;
	_ =	strace $0x80000046;
	[dreg:$0x1] =	wrdreg $0xFFFFFFFF  }
0xb0: {  	s28 =	simm.s32 $_size_execute0_lowered;
	s8 =	sadd.s32 s8, s9;
	[dreg:$0x0] =	wrdreg $0x0  }
0xb1: {  	s9 =	sshll.u32 s28, $0x1;
	[dreg:$0x2] =	wrdreg s8  }
0xb2: {  	[dreg:$0x3] =	wrdreg s9  }
0xb3: {  	[dreg:$0x4] =	wrdreg $0xC0  }
0xb4: {  	_ =	task [dreg:s12], $0x5FFFF  }
0xb5: {  	[dreg:$0x1] =	wrdreg $0xFFFFFFFF  }
0xb6: {  	[dreg:$0x0] =	wrdreg $0x60  }
0xb7: {  	[dreg:$0x2] =	wrdreg s2  }
0xb8: {  	[dreg:$0x3] =	wrdreg s4  }
0xb9: {  	[dreg:$0x4] =	wrdreg s5  }
0xba: {  	[dreg:$0x5] =	wrdreg s6  }
0xbb: {  	[dreg:$0x6] =	wrdreg s18  }
0xbc: {  	[dreg:$0x7] =	wrdreg s17  }
0xbd: {  	[dreg:$0x8] =	wrdreg $0x9  }
0xbe: {  	_ =	task.clear_ibuf [dreg:s12], $0x9FFFF;
	_ =	strace $0x90000046  }
0xbf: {  	s29 =	simm.s32 $0x9;
	_ =	strace $0x80000048  }
0xc0: {  	_ =	swait.ge [sflag:s29], $0x1  }
0xc1: {  	[sflag:s29] =	ssyncadd.s32 $0xFFFFFFFF  }
0xc2: {  	_ =	strace $0x90000048  }
0xc3: {  	_ =	sfence  }
0xc4: {  	s30 =	sld [smem:$0x0];
	_ =	sdelay $0x2  }
0xc5: {  	s31 =	sshll.u32 s1, $0xD;
	s1 =	sshrl.u32 s1, $0x2  }
0xc6: {  	s3 =	sand.u32 $0x4000, s31;
	s1 =	sadd.s32 s1, s30  }
0xc7: {  	s0 =	sor.u32 s3, s0;
	s1 =	sshll.u32 s1, $0x11  }
0xc8: {  	s0 =	sor.u32 s1, s0  }
0xc9: {  	s0 =	sadd.s32 $0x8F2B, s0  }
0xca: {  	[sflag:s0] =	ssyncadd.remote.s32 $0x1  }
0xcb: {  	_ =	sfence.sel $0xFFFF  }
0xcc: {  	[dreg:$0x0] =	wrdreg $0xFFFFFFFF;
	(pc) =	sbr.abs _section_cstart, $3  }
0xcd: {  	[dreg:$0x1] =	wrdreg $0xFFFFFFFF  }
0xce: {  	_ =	task.clear_ibuf [dreg:s12], $0x2FFFF;
	_ =	strace $0x9FFFFFFF  }
0xcf: {  	(tm) =	ssettm $0x7FFFFFFF  }
tec
execute0_lowered:
.L_overlay_start_1:
0x0: {  	(tag) =	ssettag $0x1  }
0x1: {  	s5 =	rddreg [dreg:$0x0]  }
0x2: {  	s6 =	rddreg [dreg:$0x1]  }
0x3: {  	s1 =	rddreg [dreg:$0x2];
	s3 =	srdreg.scid  }
0x4: {  	s2 =	rddreg [dreg:$0x3];
	s0 =	stileid.u32;
	s13 =	sand.u32 $0x1, s3  }
0x5: {  	s12 =	rddreg [dreg:$0x4];
	s7 =	sshll.u32 s0, $0x8;
	s8 =	sshll.u32 s13, $0x7  }
0x6: {  	s14 =	rddreg [dreg:$0x5];
	s4 =	simm.s32 $0x0;
	s15 =	sor.u32 s8, s7  }
0x7: {  	[smem:$0x7FF] =	sst s4;
	s7 =	sshrl.u32 s15, $0x3  }
0x8: {  	s3 =	rddreg [dreg:$0x6];
	_ =	strace $0x80000047;
	s5 =	sadd.s32 s5, s7  }
0x9: {  	[tilespmem:s4], [sflag:$0x1] =	stream.linear.gather [hbm4b:s5+s4], $0x80, $0x38;
	[tilespmem:$0x8100] =	vst v63  }
0xa: {  	s8 =	simm.s32 $0x1;
	s6 =	sadd.s32 s6, s7;
	s7 =	simm.s32 $0x80  }
0xb: {  	[tilespmem:s7], [sflag:$0x2] =	stream.linear.gather [hbm4b:s6+s4], $0x80, $0x38;
	[tilespmem:$0x8100] =	vst v63  }
0xc: {  	_ =	swait.ge [sflag:s8], $0x80  }
0xd: {  	[sflag:s8] =	ssyncset.done $0x0  }
0xe: {  	s10 =	simm.s32 $0x100;
	s9 =	simm.s32 $0x2;
	[sflag:s8] =	ssyncadd.s32 $0xFFFFFF80  }
0xf: {  	[tilespmem:s10], [sflag:$0x1] =	stream.indirect.gather [hbm4b:s1+s7], $0x80, s4, s7, $0xb8;
	[tilespmem:$0x8100] =	vst v63  }
0x10: {  	_ =	swait.ge [sflag:s9], $0x80  }
0x11: {  	[sflag:s9] =	ssyncset.done $0x0  }
0x12: {  	s11 =	simm.s32 $0x4100;
	[sflag:s9] =	ssyncadd.s32 $0xFFFFFF80  }
0x13: {  	[tilespmem:s11], [sflag:$0x2] =	stream.indirect.gather [hbm4b:s2+s7], $0x80, s7, s7, $0xb8;
	[tilespmem:$0x8100] =	vst v63  }
0x14: {  	_ =	swait.ge [sflag:s8], $0x4000  }
0x15: {  	s16 =	ssub.s32 $0x2, s13;
	s15 =	sshll.u32 s15, $0x4;
	[sflag:s8] =	ssyncset.done $0x0  }
0x16: {  	s31 =	sshrl.u32 s16, $0x1;
	s12 =	sadd.s32 s12, s15;
	[sflag:s8] =	ssyncadd.s32 $0xFFFFC000  }
0x17: {  	[hbm4b:s12+s4] =	stream.linear.scatter [tilespmem:s10], [sflag:$0x1], $0x4000, $0x38;
	[tilespmem:$0x8100] =	vst v63  }
0x18: {  	s13 =	sadd.s32 s14, s15;
	s14 =	ssub.s32 s16, s31;
	_ =	swait.ge [sflag:s9], $0x4000  }
0x19: {  	s14 =	smax.u32 s14, $0x1;
	[sflag:s9] =	ssyncset.done $0x0  }
0x1a: {  	p0 =	sne.s32 s14, $0x1;
	[sflag:s9] =	ssyncadd.s32 $0xFFFFC000  }
0x1b: {  	[hbm4b:s13+s4] =	stream.linear.scatter [tilespmem:s11], [sflag:$0x2], $0x4000, $0x38;
	[tilespmem:$0x8100] =	vst v63  }
.Ltmp0:
0x1c: {  	_ =	swait.ge [sflag:s8], $0x4000;
	(pc) =	sbr.rel @!p0 .LBB2_2-.Ltmp0, $4  }
0x1d: {  	[sflag:s8] =	ssyncset.done $0x0  }
0x1e: {  	[sflag:s8] =	ssyncadd.s32 $0xFFFFC000  }
0x1f: {  	_ =	swait.ge [sflag:s9], $0x4000  }
0x20: {  	s14 =	sadd.s32 $0xFFFFFFFF, s14;
	[sflag:s9] =	ssyncset.done $0x0  }
.LBB2_1:
0x21: {  	p0 =	sne.s32 s14, $0x1;
	s14 =	sadd.s32 $0xFFFFFFFF, s14;
	[sflag:s9] =	ssyncadd.s32 $0xFFFFC000  }
0x22: {  	[tilespmem:s4], [sflag:$0x1] =	stream.linear.gather [hbm4b:s5+s4], $0x80, $0x38;
	[tilespmem:$0x8100] =	vst v63  }
0x23: {  	_ = 	snop  }
0x24: {  	[tilespmem:s7], [sflag:$0x2] =	stream.linear.gather [hbm4b:s6+s4], $0x80, $0x38;
	[tilespmem:$0x8100] =	vst v63  }
0x25: {  	_ =	swait.ge [sflag:s8], $0x80  }
0x26: {  	[sflag:s8] =	ssyncset.done $0x0  }
0x27: {  	[sflag:s8] =	ssyncadd.s32 $0xFFFFFF80  }
0x28: {  	[tilespmem:s10], [sflag:$0x1] =	stream.indirect.gather [hbm4b:s1+s7], $0x80, s4, s7, $0xb8;
	[tilespmem:$0x8100] =	vst v63  }
0x29: {  	_ =	swait.ge [sflag:s9], $0x80  }
0x2a: {  	[sflag:s9] =	ssyncset.done $0x0  }
0x2b: {  	[sflag:s9] =	ssyncadd.s32 $0xFFFFFF80  }
0x2c: {  	[tilespmem:s11], [sflag:$0x2] =	stream.indirect.gather [hbm4b:s2+s7], $0x80, s7, s7, $0xb8;
	[tilespmem:$0x8100] =	vst v63  }
0x2d: {  	_ =	swait.ge [sflag:s8], $0x4000  }
0x2e: {  	[sflag:s8] =	ssyncset.done $0x0  }
0x2f: {  	[sflag:s8] =	ssyncadd.s32 $0xFFFFC000  }
0x30: {  	[hbm4b:s12+s4] =	stream.linear.scatter [tilespmem:s10], [sflag:$0x1], $0x4000, $0x38;
	[tilespmem:$0x8100] =	vst v63  }
0x31: {  	_ =	swait.ge [sflag:s9], $0x4000  }
0x32: {  	[sflag:s9] =	ssyncset.done $0x0  }
0x33: {  	[sflag:s9] =	ssyncadd.s32 $0xFFFFC000  }
0x34: {  	[hbm4b:s13+s4] =	stream.linear.scatter [tilespmem:s11], [sflag:$0x2], $0x4000, $0x38;
	[tilespmem:$0x8100] =	vst v63  }
.Ltmp1:
0x35: {  	_ =	swait.ge [sflag:s8], $0x4000;
	(pc) =	sbr.rel @p0 .LBB2_1-.Ltmp1, $4  }
0x36: {  	[sflag:s8] =	ssyncset.done $0x0  }
0x37: {  	[sflag:s8] =	ssyncadd.s32 $0xFFFFC000  }
0x38: {  	_ =	swait.ge [sflag:s9], $0x4000  }
0x39: {  	[sflag:s9] =	ssyncset.done $0x0  }
.LBB2_2:
0x3a: {  	[sflag:s9] =	ssyncadd.s32 $0xFFFFC000  }
0x3b: {  	_ =	sfence.sel $0x180000  }
0x3c: {  	[bflag:$0x0] =	sbarrier.arrive $0xFFFF  }
0x3d: {  	p0 =	sne.s32 s0, $0x0;
	_ =	strace $0x90000047  }
0x3e: {  	s0 =	sadd.s32 @!p0 $0x100000, s3;
	[bflag:$0x2] =	sbarrier.arrive $0xFFFF  }
0x3f: {  	[sflag:s0] =	ssyncadd.tile.s32 @!p0 $0x1;
	_ =	shalt  }
.Lfunc_end2:
_tile_overlayer_lowered:
.L_overlay_start_2:
0x40: {  	(tag) =	ssettag $0x2  }
0x41: {  	s0 =	rddreg [dreg:$0x0];
	s2 =	stileid.u32  }
0x42: {  	s1 =	rddreg [dreg:$0x1];
	p0 =	sne.s32 s2, $0x0  }
0x43: {  	s3 =	rddreg [dreg:$0x2];
	[bflag:$0x3] =	sbarrier.arrive $0xFFFF;
	s2 =	simm.s32 @!p0 $0x1C03  }
0x44: {  	[timem:s3], [sflag:s2] =	dma.local @!p0 [hbm:s0], s1  }
0x45: {  	s0 =	simm.s32 @!p0 $0x3  }
0x46: {  	_ =	swait.ge @!p0 [sflag:s0], s1  }
0x47: {  	s1 =	ssub.s32 @!p0 $0x0, s1;
	[sflag:s0] =	ssyncset.done @!p0 $0x0  }
0x48: {  	[sflag:s0] =	ssyncadd.s32 @!p0 s1  }
0x49: {  	[bflag:$0x3] =	sbarrier.arrive $0xFFFF  }
0x4a: {  	_ =	shalt  }

</sc_bundles>
